<compile_context>
chip_gen: v7x
topology: tpu7x:2x2x1
jax: 0.10.2.dev20260603
libtpu: 0.0.44.dev20260713+nightly
codegen_flags: <defaults>
</compile_context>

<pallas_src>
import functools

import jax
import jax.numpy as jnp
from jax import lax
from jax.experimental import pallas as pl
from jax.experimental.pallas import tpu as pltpu
from jax.experimental.pallas import tpu_sc as plsc

_VOCAB = 100000
_LANES = 16
_SUB = 128


def _emb_kernel(num_rows, dim, chunk, n_workers, num_cores):
  per_w = num_rows // n_workers
  n_chunks = per_w // chunk
  n_sub = chunk // _SUB
  groups = chunk // _LANES

  mesh = plsc.VectorSubcoreMesh(core_axis_name="c", subcore_axis_name="s")

  @functools.partial(
      pl.kernel,
      mesh=mesh,
      compiler_params=pltpu.CompilerParams(
          needs_layout_passes=False, use_tc_tiling_on_sc=False
      ),
      out_type=jax.ShapeDtypeStruct((num_rows, dim), jnp.float32),
      scratch_types=[
          pltpu.VMEM((chunk,), jnp.int32),
          pltpu.VMEM((chunk,), jnp.int32),
          pltpu.VMEM((chunk, dim), jnp.float32),
          pltpu.VMEM((_SUB, dim), jnp.float32),
          pltpu.SemaphoreType.DMA,
      ],
  )
  def body(ids_hbm, w_hbm, wn_hbm, out_hbm, idx_v, idxa_v, rows_v, wn_v, sem):
    wid = lax.axis_index("s") * num_cores + lax.axis_index("c")
    base = wid * per_w

    pltpu.sync_copy(wn_hbm, wn_v.at[pl.ds(0, wn_hbm.shape[0])])

    def chunk_body(g, carry):
      off = base + g * chunk
      pltpu.sync_copy(ids_hbm.at[pl.ds(off, chunk)], idx_v)

      def clamp_body(j, c):
        v = idx_v[pl.ds(j * _LANES, _LANES)]
        idxa_v[pl.ds(j * _LANES, _LANES)] = jnp.where(v >= _VOCAB, 0, v)
        return c

      lax.fori_loop(0, groups, clamp_body, 0, unroll=False)

      handles = []
      for k in range(n_sub):
        handles.append(
            pltpu.async_copy(
                w_hbm.at[idxa_v.at[pl.ds(k * _SUB, _SUB)]],
                rows_v.at[pl.ds(k * _SUB, _SUB)],
                sem,
            )
        )
      for h in handles:
        h.wait()

      lanes = lax.iota(jnp.int32, _LANES)

      def fix_group(j, c):
        v = idx_v[pl.ds(j * _LANES, _LANES)]
        hit = v >= _VOCAB

        @pl.when(jnp.any(hit))
        def _():
          jj = jnp.where(hit, v - _VOCAB, 0)
          r_vec = j * _LANES + lanes

          def fix_col(cc, c2):
            c_vec = jnp.zeros((_LANES,), jnp.int32) + cc
            vals = plsc.load_gather(wn_v, [jj, c_vec], mask=hit)
            plsc.store_scatter(rows_v, [r_vec, c_vec], vals, mask=hit)
            return c2

          lax.fori_loop(0, dim, fix_col, 0, unroll=False)

        return c

      lax.fori_loop(0, groups, fix_group, 0, unroll=False)

      pltpu.sync_copy(rows_v, out_hbm.at[pl.ds(off, chunk)])
      return carry

    lax.fori_loop(0, n_chunks, chunk_body, 0, unroll=False)

  return body


def kernel(input, W, W_new):
  b, l = input.shape
  vocab, dim = W.shape
  num_rows = b * l
  info = plsc.get_sparse_core_info()
  n_workers = info.num_cores * info.num_subcores
  ids = input.reshape(num_rows).astype(jnp.int32)
  fn = _emb_kernel(num_rows, dim, 1024, n_workers, info.num_cores)
  out = fn(ids, W, W_new)
  return out.reshape(b, l, dim)

# --- scband reference (transcript-rebuilt; emitter-appended) ---
"""Pipeline reference for scband-my-embedding-1846835937764 (READ-ONLY COPY).

The authoritative reference and input builder live on the scoring server;
editing this copy changes nothing except your own understanding.
"""

import jax, jax.numpy as jnp
import numpy as np

VOCAB = 100000
N_PREFIX = 100
DIM = 64
B = 16384
L = 50


def setup_inputs(seed: int = 0) -> dict:
    key = jax.random.key(seed)
    k1, k2, k3 = jax.random.split(key, 3)
    # forward arg: token indices into the concatenated [VOCAB + N_PREFIX, DIM] table
    input_ids = jax.random.randint(k1, (B, L), 0, VOCAB + N_PREFIX, dtype=jnp.int64)
    # learned parameters: base embedding table and new prefix table
    W = jax.random.normal(k2, (VOCAB, DIM), dtype=jnp.float32)
    W_new = jax.random.normal(k3, (N_PREFIX, DIM), dtype=jnp.float32)
    return {"input": input_ids, "W": W, "W_new": W_new}


def reference(input, W, W_new):
    # F.embedding(input, torch.cat([embed.weight, new_embed.weight], 0), ...)
    # padding_idx=None, max_norm=None, norm_type=2.0, scale_grad_by_freq=False, sparse=False
    # -> plain gather from the concatenated table.
    table = jnp.concatenate([W, W_new], axis=0)
    return jnp.take(table, input, axis=0)

if __name__ == "__main__":
    import jax
    _d = setup_inputs()
    print(jax.jit(kernel)(*tuple(_d.values())))

</pallas_src>

<mosaic_0001>
#map = affine_map<(d0, d1) -> (0)>
#map1 = affine_map<(d0, d1) -> (0, 0)>
module attributes {stable_mosaic.version = 14 : i64} {
  func.func @body(%arg0: i32, %arg1: i32, %arg2: memref<819200xi32, #tpu.memory_space<hbm>>, %arg3: memref<100000x64xf32, #tpu.memory_space<hbm>>, %arg4: memref<100x64xf32, #tpu.memory_space<hbm>>, %arg5: memref<819200x64xf32, #tpu.memory_space<hbm>>, %arg6: memref<1024xi32, #tpu.memory_space<vmem>>, %arg7: memref<1024xi32, #tpu.memory_space<vmem>>, %arg8: memref<1024x64xf32, #tpu.memory_space<vmem>>, %arg9: memref<128x64xf32, #tpu.memory_space<vmem>>, %arg10: memref<!tpu.dma_semaphore, #tpu.memory_space<semaphore_mem>>) attributes {dimension_semantics = [#tpu.dimension_semantics<core_parallel>, #tpu.dimension_semantics<subcore_parallel>], iteration_bounds = array<i64: 2, 16>, scalar_prefetch = 0 : i64, scratch_operands = 5 : i64, tpu.core_type = #tpu.core_type<sc_vector_subcore>, window_params = [{transform_indices = #map}, {transform_indices = #map1}, {transform_indices = #map1}, {transform_indices = #map1}]} {
    %mul3A = arith.constant 2 : i32
    %mul3A_0 = arith.muli %arg1, %mul3A : i32
    %add3A = arith.addi %mul3A_0, %arg0 : i32
    %mul3A_1 = arith.constant 25600 : i32
    %mul3A_2 = arith.muli %add3A, %mul3A_1 : i32
    "tpu.region"() ({
      %run_scoped3A = tpu.sem_alloc : memref<!tpu.dma_semaphore, #tpu.memory_space<semaphore_mem>>
      %dma_start3A = arith.constant 0 : i32
      %dma_start3A_8 = arith.constant 0 : i32
      %dma_start3A_9 = tpu.memref_slice %arg9[%dma_start3A, %dma_start3A_8] : memref<128x64xf32, #tpu.memory_space<vmem>> -> memref<100x64xf32, #tpu.memory_space<vmem>>
      %dma_start3A_10 = arith.constant 0 : i32
      %dma_start3A_11 = arith.constant 0 : i32
      %dma_start3A_12 = tpu.memref_slice %arg9[%dma_start3A_10, %dma_start3A_11] : memref<128x64xf32, #tpu.memory_space<vmem>> -> memref<100x64xf32, #tpu.memory_space<vmem>>
      tpu.enqueue_dma source(%arg4 : memref<100x64xf32, #tpu.memory_space<hbm>>) target(%dma_start3A_12 : memref<100x64xf32, #tpu.memory_space<vmem>>) target_semaphore(%run_scoped3A : memref<!tpu.dma_semaphore, #tpu.memory_space<semaphore_mem>>)
      %dma_wait3A = arith.constant 0 : i32
      %dma_wait3A_13 = arith.constant 0 : i32
      %dma_wait3A_14 = tpu.memref_slice %arg9[%dma_wait3A, %dma_wait3A_13] : memref<128x64xf32, #tpu.memory_space<vmem>> -> memref<100x64xf32, #tpu.memory_space<vmem>>
      %dma_wait3A_15 = arith.constant 0 : i32
      %dma_wait3A_16 = arith.constant 0 : i32
      %dma_wait3A_17 = tpu.memref_slice %arg9[%dma_wait3A_15, %dma_wait3A_16] : memref<128x64xf32, #tpu.memory_space<vmem>> -> memref<100x64xf32, #tpu.memory_space<vmem>>
      tpu.wait_dma2 semaphore(%run_scoped3A : memref<!tpu.dma_semaphore, #tpu.memory_space<semaphore_mem>>) src(%arg4 : memref<100x64xf32, #tpu.memory_space<hbm>>) dst(%dma_wait3A_17 : memref<100x64xf32, #tpu.memory_space<vmem>>)
      tpu.yield
    }) : () -> ()
    %scan3A = arith.constant 0 : i32
    %scan3A_3 = arith.constant 0 : i32
    %scan3A_4 = arith.constant 25 : i32
    %scan3A_5 = arith.addi %scan3A_3, %scan3A_4 : i32
    %scan3A_6 = arith.constant 1 : i32
    scf.for %scan3A_8 = %scan3A_3 to %scan3A_5 step %scan3A_6  : i32 {
      %mul3A_9 = arith.constant 1024 : i32
      %mul3A_10 = arith.muli %scan3A_8, %mul3A_9 : i32
      %add3A_11 = arith.addi %mul3A_2, %mul3A_10 : i32
      "tpu.region"() ({
        %run_scoped3A = tpu.sem_alloc : memref<!tpu.dma_semaphore, #tpu.memory_space<semaphore_mem>>
        %dma_start3A_150 = tpu.memref_slice %arg2[%add3A_11] : memref<819200xi32, #tpu.memory_space<hbm>> -> memref<1024xi32, #tpu.memory_space<hbm>>
        %dma_start3A_151 = tpu.memref_slice %arg2[%add3A_11] : memref<819200xi32, #tpu.memory_space<hbm>> -> memref<1024xi32, #tpu.memory_space<hbm>>
        tpu.enqueue_dma source(%dma_start3A_151 : memref<1024xi32, #tpu.memory_space<hbm>>) target(%arg6 : memref<1024xi32, #tpu.memory_space<vmem>>) target_semaphore(%run_scoped3A : memref<!tpu.dma_semaphore, #tpu.memory_space<semaphore_mem>>)
        %dma_wait3A_152 = tpu.memref_slice %arg2[%add3A_11] : memref<819200xi32, #tpu.memory_space<hbm>> -> memref<1024xi32, #tpu.memory_space<hbm>>
        %dma_wait3A_153 = tpu.memref_slice %arg2[%add3A_11] : memref<819200xi32, #tpu.memory_space<hbm>> -> memref<1024xi32, #tpu.memory_space<hbm>>
        tpu.wait_dma2 semaphore(%run_scoped3A : memref<!tpu.dma_semaphore, #tpu.memory_space<semaphore_mem>>) src(%dma_wait3A_153 : memref<1024xi32, #tpu.memory_space<hbm>>) dst(%arg6 : memref<1024xi32, #tpu.memory_space<vmem>>)
        tpu.yield
      }) : () -> ()
      %scan3A_12 = arith.constant 0 : i32
      %scan3A_13 = arith.constant 0 : i32
      %scan3A_14 = arith.constant 64 : i32
      %scan3A_15 = arith.addi %scan3A_13, %scan3A_14 : i32
      %scan3A_16 = arith.constant 1 : i32
      scf.for %scan3A_150 = %scan3A_13 to %scan3A_15 step %scan3A_16  : i32 {
        %mul3A_151 = arith.constant 16 : i32
        %mul3A_152 = arith.muli %scan3A_150, %mul3A_151 : i32
        %get3A = arith.index_cast %mul3A_152 : i32 to index
        %get3A_153 = tpu.vector_load %arg6[%get3A] {strides = array<i32>} : memref<1024xi32, #tpu.memory_space<vmem>>, vector<16xi32>,
        %ge3A = arith.constant 100000 : i32
        %ge3A_154 = vector.broadcast %ge3A : i32 to vector<16xi32>
        %ge3A_155 = arith.cmpi sge, %get3A_153, %ge3A_154 : vector<16xi32>
        %jit3A = arith.constant 0 : i32
        %broadcast_in_dim3A = vector.broadcast %jit3A : i32 to vector<16xi32>
        %select_n3A = arith.select %ge3A_155, %broadcast_in_dim3A, %get3A_153 : vector<16xi1>, vector<16xi32>
        %mul3A_156 = arith.constant 16 : i32
        %mul3A_157 = arith.muli %scan3A_150, %mul3A_156 : i32
        %swap3A = arith.index_cast %mul3A_157 : i32 to index
        %swap3A_158 = tpu.vector_load %arg7[%swap3A] {strides = array<i32>} : memref<1024xi32, #tpu.memory_space<vmem>>, vector<16xi32>,
        tpu.vector_store %arg7[%swap3A], %select_n3A {strides = array<i32>} : memref<1024xi32, #tpu.memory_space<vmem>>, vector<16xi32>,
      }
      %scan3A_17 = arith.constant 64 : i32
      %dma_start3A = arith.constant 0 : i32
      %dma_start3A_18 = arith.constant 0 : i32
      %dma_start3A_19 = tpu.memref_slice %arg8[%dma_start3A, %dma_start3A_18] : memref<1024x64xf32, #tpu.memory_space<vmem>> -> memref<128x64xf32, #tpu.memory_space<vmem>>
      %dma_start3A_20 = arith.constant 0 : i32
      %dma_start3A_21 = tpu.memref_slice %arg7[%dma_start3A_20] : memref<1024xi32, #tpu.memory_space<vmem>> -> memref<128xi32, #tpu.memory_space<vmem>>
      %dma_start3A_22 = arith.constant 0 : i32
      %dma_start3A_23 = arith.constant 0 : i32
      %dma_start3A_24 = tpu.memref_slice %arg3[%dma_start3A_22, %dma_start3A_23] : memref<100000x64xf32, #tpu.memory_space<hbm>> -> memref<100000x64xf32, #tpu.memory_space<hbm>>
      tpu.enqueue_indirect_dma source(%dma_start3A_24 : memref<100000x64xf32, #tpu.memory_space<hbm>>) target(%dma_start3A_19 : memref<128x64xf32, #tpu.memory_space<vmem>>) offsets(%dma_start3A_21 : memref<128xi32, #tpu.memory_space<vmem>>) semaphore(%arg10 : memref<!tpu.dma_semaphore, #tpu.memory_space<semaphore_mem>>)
      %dma_start3A_25 = arith.constant 128 : i32
      %dma_start3A_26 = arith.constant 0 : i32
      %dma_start3A_27 = tpu.memref_slice %arg8[%dma_start3A_25, %dma_start3A_26] : memref<1024x64xf32, #tpu.memory_space<vmem>> -> memref<128x64xf32, #tpu.memory_space<vmem>>
      %dma_start3A_28 = arith.constant 128 : i32
      %dma_start3A_29 = tpu.memref_slice %arg7[%dma_start3A_28] : memref<1024xi32, #tpu.memory_space<vmem>> -> memref<128xi32, #tpu.memory_space<vmem>>
      %dma_start3A_30 = arith.constant 0 : i32
      %dma_start3A_31 = arith.constant 0 : i32
      %dma_start3A_32 = tpu.memref_slice %arg3[%dma_start3A_30, %dma_start3A_31] : memref<100000x64xf32, #tpu.memory_space<hbm>> -> memref<100000x64xf32, #tpu.memory_space<hbm>>
      tpu.enqueue_indirect_dma source(%dma_start3A_32 : memref<100000x64xf32, #tpu.memory_space<hbm>>) target(%dma_start3A_27 : memref<128x64xf32, #tpu.memory_space<vmem>>) offsets(%dma_start3A_29 : memref<128xi32, #tpu.memory_space<vmem>>) semaphore(%arg10 : memref<!tpu.dma_semaphore, #tpu.memory_space<semaphore_mem>>)
      %dma_start3A_33 = arith.constant 256 : i32
      %dma_start3A_34 = arith.constant 0 : i32
      %dma_start3A_35 = tpu.memref_slice %arg8[%dma_start3A_33, %dma_start3A_34] : memref<1024x64xf32, #tpu.memory_space<vmem>> -> memref<128x64xf32, #tpu.memory_space<vmem>>
      %dma_start3A_36 = arith.constant 256 : i32
      %dma_start3A_37 = tpu.memref_slice %arg7[%dma_start3A_36] : memref<1024xi32, #tpu.memory_space<vmem>> -> memref<128xi32, #tpu.memory_space<vmem>>
      %dma_start3A_38 = arith.constant 0 : i32
      %dma_start3A_39 = arith.constant 0 : i32
      %dma_start3A_40 = tpu.memref_slice %arg3[%dma_start3A_38, %dma_start3A_39] : memref<100000x64xf32, #tpu.memory_space<hbm>> -> memref<100000x64xf32, #tpu.memory_space<hbm>>
      tpu.enqueue_indirect_dma source(%dma_start3A_40 : memref<100000x64xf32, #tpu.memory_space<hbm>>) target(%dma_start3A_35 : memref<128x64xf32, #tpu.memory_space<vmem>>) offsets(%dma_start3A_37 : memref<128xi32, #tpu.memory_space<vmem>>) semaphore(%arg10 : memref<!tpu.dma_semaphore, #tpu.memory_space<semaphore_mem>>)
      %dma_start3A_41 = arith.constant 384 : i32
      %dma_start3A_42 = arith.constant 0 : i32
      %dma_start3A_43 = tpu.memref_slice %arg8[%dma_start3A_41, %dma_start3A_42] : memref<1024x64xf32, #tpu.memory_space<vmem>> -> memref<128x64xf32, #tpu.memory_space<vmem>>
      %dma_start3A_44 = arith.constant 384 : i32
      %dma_start3A_45 = tpu.memref_slice %arg7[%dma_start3A_44] : memref<1024xi32, #tpu.memory_space<vmem>> -> memref<128xi32, #tpu.memory_space<vmem>>
      %dma_start3A_46 = arith.constant 0 : i32
      %dma_start3A_47 = arith.constant 0 : i32
      %dma_start3A_48 = tpu.memref_slice %arg3[%dma_start3A_46, %dma_start3A_47] : memref<100000x64xf32, #tpu.memory_space<hbm>> -> memref<100000x64xf32, #tpu.memory_space<hbm>>
      tpu.enqueue_indirect_dma source(%dma_start3A_48 : memref<100000x64xf32, #tpu.memory_space<hbm>>) target(%dma_start3A_43 : memref<128x64xf32, #tpu.memory_space<vmem>>) offsets(%dma_start3A_45 : memref<128xi32, #tpu.memory_space<vmem>>) semaphore(%arg10 : memref<!tpu.dma_semaphore, #tpu.memory_space<semaphore_mem>>)
      %dma_start3A_49 = arith.constant 512 : i32
      %dma_start3A_50 = arith.constant 0 : i32
      %dma_start3A_51 = tpu.memref_slice %arg8[%dma_start3A_49, %dma_start3A_50] : memref<1024x64xf32, #tpu.memory_space<vmem>> -> memref<128x64xf32, #tpu.memory_space<vmem>>
      %dma_start3A_52 = arith.constant 512 : i32
      %dma_start3A_53 = tpu.memref_slice %arg7[%dma_start3A_52] : memref<1024xi32, #tpu.memory_space<vmem>> -> memref<128xi32, #tpu.memory_space<vmem>>
      %dma_start3A_54 = arith.constant 0 : i32
      %dma_start3A_55 = arith.constant 0 : i32
      %dma_start3A_56 = tpu.memref_slice %arg3[%dma_start3A_54, %dma_start3A_55] : memref<100000x64xf32, #tpu.memory_space<hbm>> -> memref<100000x64xf32, #tpu.memory_space<hbm>>
      tpu.enqueue_indirect_dma source(%dma_start3A_56 : memref<100000x64xf32, #tpu.memory_space<hbm>>) target(%dma_start3A_51 : memref<128x64xf32, #tpu.memory_space<vmem>>) offsets(%dma_start3A_53 : memref<128xi32, #tpu.memory_space<vmem>>) semaphore(%arg10 : memref<!tpu.dma_semaphore, #tpu.memory_space<semaphore_mem>>)
      %dma_start3A_57 = arith.constant 640 : i32
      %dma_start3A_58 = arith.constant 0 : i32
      %dma_start3A_59 = tpu.memref_slice %arg8[%dma_start3A_57, %dma_start3A_58] : memref<1024x64xf32, #tpu.memory_space<vmem>> -> memref<128x64xf32, #tpu.memory_space<vmem>>
      %dma_start3A_60 = arith.constant 640 : i32
      %dma_start3A_61 = tpu.memref_slice %arg7[%dma_start3A_60] : memref<1024xi32, #tpu.memory_space<vmem>> -> memref<128xi32, #tpu.memory_space<vmem>>
      %dma_start3A_62 = arith.constant 0 : i32
      %dma_start3A_63 = arith.constant 0 : i32
      %dma_start3A_64 = tpu.memref_slice %arg3[%dma_start3A_62, %dma_start3A_63] : memref<100000x64xf32, #tpu.memory_space<hbm>> -> memref<100000x64xf32, #tpu.memory_space<hbm>>
      tpu.enqueue_indirect_dma source(%dma_start3A_64 : memref<100000x64xf32, #tpu.memory_space<hbm>>) target(%dma_start3A_59 : memref<128x64xf32, #tpu.memory_space<vmem>>) offsets(%dma_start3A_61 : memref<128xi32, #tpu.memory_space<vmem>>) semaphore(%arg10 : memref<!tpu.dma_semaphore, #tpu.memory_space<semaphore_mem>>)
      %dma_start3A_65 = arith.constant 768 : i32
      %dma_start3A_66 = arith.constant 0 : i32
      %dma_start3A_67 = tpu.memref_slice %arg8[%dma_start3A_65, %dma_start3A_66] : memref<1024x64xf32, #tpu.memory_space<vmem>> -> memref<128x64xf32, #tpu.memory_space<vmem>>
      %dma_start3A_68 = arith.constant 768 : i32
      %dma_start3A_69 = tpu.memref_slice %arg7[%dma_start3A_68] : memref<1024xi32, #tpu.memory_space<vmem>> -> memref<128xi32, #tpu.memory_space<vmem>>
      %dma_start3A_70 = arith.constant 0 : i32
      %dma_start3A_71 = arith.constant 0 : i32
      %dma_start3A_72 = tpu.memref_slice %arg3[%dma_start3A_70, %dma_start3A_71] : memref<100000x64xf32, #tpu.memory_space<hbm>> -> memref<100000x64xf32, #tpu.memory_space<hbm>>
      tpu.enqueue_indirect_dma source(%dma_start3A_72 : memref<100000x64xf32, #tpu.memory_space<hbm>>) target(%dma_start3A_67 : memref<128x64xf32, #tpu.memory_space<vmem>>) offsets(%dma_start3A_69 : memref<128xi32, #tpu.memory_space<vmem>>) semaphore(%arg10 : memref<!tpu.dma_semaphore, #tpu.memory_space<semaphore_mem>>)
      %dma_start3A_73 = arith.constant 896 : i32
      %dma_start3A_74 = arith.constant 0 : i32
      %dma_start3A_75 = tpu.memref_slice %arg8[%dma_start3A_73, %dma_start3A_74] : memref<1024x64xf32, #tpu.memory_space<vmem>> -> memref<128x64xf32, #tpu.memory_space<vmem>>
      %dma_start3A_76 = arith.constant 896 : i32
      %dma_start3A_77 = tpu.memref_slice %arg7[%dma_start3A_76] : memref<1024xi32, #tpu.memory_space<vmem>> -> memref<128xi32, #tpu.memory_space<vmem>>
      %dma_start3A_78 = arith.constant 0 : i32
      %dma_start3A_79 = arith.constant 0 : i32
      %dma_start3A_80 = tpu.memref_slice %arg3[%dma_start3A_78, %dma_start3A_79] : memref<100000x64xf32, #tpu.memory_space<hbm>> -> memref<100000x64xf32, #tpu.memory_space<hbm>>
      tpu.enqueue_indirect_dma source(%dma_start3A_80 : memref<100000x64xf32, #tpu.memory_space<hbm>>) target(%dma_start3A_75 : memref<128x64xf32, #tpu.memory_space<vmem>>) offsets(%dma_start3A_77 : memref<128xi32, #tpu.memory_space<vmem>>) semaphore(%arg10 : memref<!tpu.dma_semaphore, #tpu.memory_space<semaphore_mem>>)
      %dma_wait3A = arith.constant 0 : i32
      %dma_wait3A_81 = arith.constant 0 : i32
      %dma_wait3A_82 = tpu.memref_slice %arg8[%dma_wait3A, %dma_wait3A_81] : memref<1024x64xf32, #tpu.memory_space<vmem>> -> memref<128x64xf32, #tpu.memory_space<vmem>>
      %dma_wait3A_83 = arith.constant 0 : i32
      %dma_wait3A_84 = tpu.memref_slice %arg7[%dma_wait3A_83] : memref<1024xi32, #tpu.memory_space<vmem>> -> memref<128xi32, #tpu.memory_space<vmem>>
      %dma_wait3A_85 = arith.constant 0 : i32
      %dma_wait3A_86 = arith.constant 0 : i32
      %dma_wait3A_87 = tpu.memref_slice %arg3[%dma_wait3A_85, %dma_wait3A_86] : memref<100000x64xf32, #tpu.memory_space<hbm>> -> memref<100000x64xf32, #tpu.memory_space<hbm>>
      tpu.wait_indirect_dma semaphore(%arg10 : memref<!tpu.dma_semaphore, #tpu.memory_space<semaphore_mem>>) src(%dma_wait3A_87 : memref<100000x64xf32, #tpu.memory_space<hbm>>) dst(%dma_wait3A_82 : memref<128x64xf32, #tpu.memory_space<vmem>>)
      %dma_wait3A_88 = arith.constant 128 : i32
      %dma_wait3A_89 = arith.constant 0 : i32
      %dma_wait3A_90 = tpu.memref_slice %arg8[%dma_wait3A_88, %dma_wait3A_89] : memref<1024x64xf32, #tpu.memory_space<vmem>> -> memref<128x64xf32, #tpu.memory_space<vmem>>
      %dma_wait3A_91 = arith.constant 128 : i32
      %dma_wait3A_92 = tpu.memref_slice %arg7[%dma_wait3A_91] : memref<1024xi32, #tpu.memory_space<vmem>> -> memref<128xi32, #tpu.memory_space<vmem>>
      %dma_wait3A_93 = arith.constant 0 : i32
      %dma_wait3A_94 = arith.constant 0 : i32
      %dma_wait3A_95 = tpu.memref_slice %arg3[%dma_wait3A_93, %dma_wait3A_94] : memref<100000x64xf32, #tpu.memory_space<hbm>> -> memref<100000x64xf32, #tpu.memory_space<hbm>>
      tpu.wait_indirect_dma semaphore(%arg10 : memref<!tpu.dma_semaphore, #tpu.memory_space<semaphore_mem>>) src(%dma_wait3A_95 : memref<100000x64xf32, #tpu.memory_space<hbm>>) dst(%dma_wait3A_90 : memref<128x64xf32, #tpu.memory_space<vmem>>)
      %dma_wait3A_96 = arith.constant 256 : i32
      %dma_wait3A_97 = arith.constant 0 : i32
      %dma_wait3A_98 = tpu.memref_slice %arg8[%dma_wait3A_96, %dma_wait3A_97] : memref<1024x64xf32, #tpu.memory_space<vmem>> -> memref<128x64xf32, #tpu.memory_space<vmem>>
      %dma_wait3A_99 = arith.constant 256 : i32
      %dma_wait3A_100 = tpu.memref_slice %arg7[%dma_wait3A_99] : memref<1024xi32, #tpu.memory_space<vmem>> -> memref<128xi32, #tpu.memory_space<vmem>>
      %dma_wait3A_101 = arith.constant 0 : i32
      %dma_wait3A_102 = arith.constant 0 : i32
      %dma_wait3A_103 = tpu.memref_slice %arg3[%dma_wait3A_101, %dma_wait3A_102] : memref<100000x64xf32, #tpu.memory_space<hbm>> -> memref<100000x64xf32, #tpu.memory_space<hbm>>
      tpu.wait_indirect_dma semaphore(%arg10 : memref<!tpu.dma_semaphore, #tpu.memory_space<semaphore_mem>>) src(%dma_wait3A_103 : memref<100000x64xf32, #tpu.memory_space<hbm>>) dst(%dma_wait3A_98 : memref<128x64xf32, #tpu.memory_space<vmem>>)
      %dma_wait3A_104 = arith.constant 384 : i32
      %dma_wait3A_105 = arith.constant 0 : i32
      %dma_wait3A_106 = tpu.memref_slice %arg8[%dma_wait3A_104, %dma_wait3A_105] : memref<1024x64xf32, #tpu.memory_space<vmem>> -> memref<128x64xf32, #tpu.memory_space<vmem>>
      %dma_wait3A_107 = arith.constant 384 : i32
      %dma_wait3A_108 = tpu.memref_slice %arg7[%dma_wait3A_107] : memref<1024xi32, #tpu.memory_space<vmem>> -> memref<128xi32, #tpu.memory_space<vmem>>
      %dma_wait3A_109 = arith.constant 0 : i32
      %dma_wait3A_110 = arith.constant 0 : i32
      %dma_wait3A_111 = tpu.memref_slice %arg3[%dma_wait3A_109, %dma_wait3A_110] : memref<100000x64xf32, #tpu.memory_space<hbm>> -> memref<100000x64xf32, #tpu.memory_space<hbm>>
      tpu.wait_indirect_dma semaphore(%arg10 : memref<!tpu.dma_semaphore, #tpu.memory_space<semaphore_mem>>) src(%dma_wait3A_111 : memref<100000x64xf32, #tpu.memory_space<hbm>>) dst(%dma_wait3A_106 : memref<128x64xf32, #tpu.memory_space<vmem>>)
      %dma_wait3A_112 = arith.constant 512 : i32
      %dma_wait3A_113 = arith.constant 0 : i32
      %dma_wait3A_114 = tpu.memref_slice %arg8[%dma_wait3A_112, %dma_wait3A_113] : memref<1024x64xf32, #tpu.memory_space<vmem>> -> memref<128x64xf32, #tpu.memory_space<vmem>>
      %dma_wait3A_115 = arith.constant 512 : i32
      %dma_wait3A_116 = tpu.memref_slice %arg7[%dma_wait3A_115] : memref<1024xi32, #tpu.memory_space<vmem>> -> memref<128xi32, #tpu.memory_space<vmem>>
      %dma_wait3A_117 = arith.constant 0 : i32
      %dma_wait3A_118 = arith.constant 0 : i32
      %dma_wait3A_119 = tpu.memref_slice %arg3[%dma_wait3A_117, %dma_wait3A_118] : memref<100000x64xf32, #tpu.memory_space<hbm>> -> memref<100000x64xf32, #tpu.memory_space<hbm>>
      tpu.wait_indirect_dma semaphore(%arg10 : memref<!tpu.dma_semaphore, #tpu.memory_space<semaphore_mem>>) src(%dma_wait3A_119 : memref<100000x64xf32, #tpu.memory_space<hbm>>) dst(%dma_wait3A_114 : memref<128x64xf32, #tpu.memory_space<vmem>>)
      %dma_wait3A_120 = arith.constant 640 : i32
      %dma_wait3A_121 = arith.constant 0 : i32
      %dma_wait3A_122 = tpu.memref_slice %arg8[%dma_wait3A_120, %dma_wait3A_121] : memref<1024x64xf32, #tpu.memory_space<vmem>> -> memref<128x64xf32, #tpu.memory_space<vmem>>
      %dma_wait3A_123 = arith.constant 640 : i32
      %dma_wait3A_124 = tpu.memref_slice %arg7[%dma_wait3A_123] : memref<1024xi32, #tpu.memory_space<vmem>> -> memref<128xi32, #tpu.memory_space<vmem>>
      %dma_wait3A_125 = arith.constant 0 : i32
      %dma_wait3A_126 = arith.constant 0 : i32
      %dma_wait3A_127 = tpu.memref_slice %arg3[%dma_wait3A_125, %dma_wait3A_126] : memref<100000x64xf32, #tpu.memory_space<hbm>> -> memref<100000x64xf32, #tpu.memory_space<hbm>>
      tpu.wait_indirect_dma semaphore(%arg10 : memref<!tpu.dma_semaphore, #tpu.memory_space<semaphore_mem>>) src(%dma_wait3A_127 : memref<100000x64xf32, #tpu.memory_space<hbm>>) dst(%dma_wait3A_122 : memref<128x64xf32, #tpu.memory_space<vmem>>)
      %dma_wait3A_128 = arith.constant 768 : i32
      %dma_wait3A_129 = arith.constant 0 : i32
      %dma_wait3A_130 = tpu.memref_slice %arg8[%dma_wait3A_128, %dma_wait3A_129] : memref<1024x64xf32, #tpu.memory_space<vmem>> -> memref<128x64xf32, #tpu.memory_space<vmem>>
      %dma_wait3A_131 = arith.constant 768 : i32
      %dma_wait3A_132 = tpu.memref_slice %arg7[%dma_wait3A_131] : memref<1024xi32, #tpu.memory_space<vmem>> -> memref<128xi32, #tpu.memory_space<vmem>>
      %dma_wait3A_133 = arith.constant 0 : i32
      %dma_wait3A_134 = arith.constant 0 : i32
      %dma_wait3A_135 = tpu.memref_slice %arg3[%dma_wait3A_133, %dma_wait3A_134] : memref<100000x64xf32, #tpu.memory_space<hbm>> -> memref<100000x64xf32, #tpu.memory_space<hbm>>
      tpu.wait_indirect_dma semaphore(%arg10 : memref<!tpu.dma_semaphore, #tpu.memory_space<semaphore_mem>>) src(%dma_wait3A_135 : memref<100000x64xf32, #tpu.memory_space<hbm>>) dst(%dma_wait3A_130 : memref<128x64xf32, #tpu.memory_space<vmem>>)
      %dma_wait3A_136 = arith.constant 896 : i32
      %dma_wait3A_137 = arith.constant 0 : i32
      %dma_wait3A_138 = tpu.memref_slice %arg8[%dma_wait3A_136, %dma_wait3A_137] : memref<1024x64xf32, #tpu.memory_space<vmem>> -> memref<128x64xf32, #tpu.memory_space<vmem>>
      %dma_wait3A_139 = arith.constant 896 : i32
      %dma_wait3A_140 = tpu.memref_slice %arg7[%dma_wait3A_139] : memref<1024xi32, #tpu.memory_space<vmem>> -> memref<128xi32, #tpu.memory_space<vmem>>
      %dma_wait3A_141 = arith.constant 0 : i32
      %dma_wait3A_142 = arith.constant 0 : i32
      %dma_wait3A_143 = tpu.memref_slice %arg3[%dma_wait3A_141, %dma_wait3A_142] : memref<100000x64xf32, #tpu.memory_space<hbm>> -> memref<100000x64xf32, #tpu.memory_space<hbm>>
      tpu.wait_indirect_dma semaphore(%arg10 : memref<!tpu.dma_semaphore, #tpu.memory_space<semaphore_mem>>) src(%dma_wait3A_143 : memref<100000x64xf32, #tpu.memory_space<hbm>>) dst(%dma_wait3A_138 : memref<128x64xf32, #tpu.memory_space<vmem>>)
      %iota3A = tpu.iota {dimensions = array<i32: 0>} : vector<16xi32>
      %scan3A_144 = arith.constant 0 : i32
      %scan3A_145 = arith.constant 0 : i32
      %scan3A_146 = arith.constant 64 : i32
      %scan3A_147 = arith.addi %scan3A_145, %scan3A_146 : i32
      %scan3A_148 = arith.constant 1 : i32
      scf.for %scan3A_150 = %scan3A_145 to %scan3A_147 step %scan3A_148  : i32 {
        %mul3A_151 = arith.constant 16 : i32
        %mul3A_152 = arith.muli %scan3A_150, %mul3A_151 : i32
        %get3A = arith.index_cast %mul3A_152 : i32 to index
        %get3A_153 = tpu.vector_load %arg6[%get3A] {strides = array<i32>} : memref<1024xi32, #tpu.memory_space<vmem>>, vector<16xi32>,
        %ge3A = arith.constant 100000 : i32
        %ge3A_154 = vector.broadcast %ge3A : i32 to vector<16xi32>
        %ge3A_155 = arith.cmpi sge, %get3A_153, %ge3A_154 : vector<16xi32>
        %reduce_or3A = arith.constant 1.000000e+00 : f32
        %reduce_or3A_156 = arith.constant 0.000000e+00 : f32
        %reduce_or3A_157 = vector.broadcast %reduce_or3A : f32 to vector<16xf32>
        %reduce_or3A_158 = vector.broadcast %reduce_or3A_156 : f32 to vector<16xf32>
        %reduce_or3A_159 = arith.select %ge3A_155, %reduce_or3A_157, %reduce_or3A_158 : vector<16xi1>, vector<16xf32>
        %reduce_or3A_160 = arith.constant true
        %reduce_or3A_161 = vector.broadcast %reduce_or3A_160 : i1 to vector<16xi1>
        %reduce_or3A_162 = tpu.scan <max>, %reduce_or3A_159 masked %reduce_or3A_161 : vector<16xf32>, vector<16xi1> -> vector<16xf32>
        %reduce_or3A_163 = vector.extract %reduce_or3A_162[15] : f32 from vector<16xf32>
        %reduce_or3A_164 = arith.constant 0.000000e+00 : f32
        %reduce_or3A_165 = arith.cmpf ogt, %reduce_or3A_163, %reduce_or3A_164 : f32
        %convert_element_type3A = arith.extui %reduce_or3A_165 : i1 to i32
        %cond3A = arith.constant 0 : i32
        %cond3A_166 = arith.cmpi ne, %convert_element_type3A, %cond3A : i32
        scf.if %cond3A_166 {
          %sub3A = arith.constant 100000 : i32
          %sub3A_167 = vector.broadcast %sub3A : i32 to vector<16xi32>
          %sub3A_168 = arith.subi %get3A_153, %sub3A_167 : vector<16xi32>
          %jit3A = arith.constant 0 : i32
          %broadcast_in_dim3A = vector.broadcast %jit3A : i32 to vector<16xi32>
          %select_n3A = arith.select %ge3A_155, %sub3A_168, %broadcast_in_dim3A : vector<16xi1>, vector<16xi32>
          %mul3A_169 = arith.constant 16 : i32
          %mul3A_170 = arith.muli %scan3A_150, %mul3A_169 : i32
          %add3A_171 = vector.broadcast %mul3A_170 : i32 to vector<16xi32>
          %add3A_172 = arith.addi %add3A_171, %iota3A : vector<16xi32>
          %scan3A_173 = arith.constant 0 : i32
          %scan3A_174 = arith.constant 0 : i32
          %scan3A_175 = arith.constant 64 : i32
          %scan3A_176 = arith.addi %scan3A_174, %scan3A_175 : i32
          %scan3A_177 = arith.constant 1 : i32
          scf.for %scan3A_179 = %scan3A_174 to %scan3A_176 step %scan3A_177  : i32 {
            %broadcast_in_dim3A_180 = arith.constant 0 : i32
            %broadcast_in_dim3A_181 = vector.broadcast %broadcast_in_dim3A_180 : i32 to vector<16xi32>
            %add3A_182 = vector.broadcast %scan3A_179 : i32 to vector<16xi32>
            %add3A_183 = arith.addi %broadcast_in_dim3A_181, %add3A_182 : vector<16xi32>
            %gather3A = tpu.vector_load_idx %arg9[%select_n3A, %add3A_183] masked %ge3A_155 : memref<128x64xf32, #tpu.memory_space<vmem>>[vector<16xi32>, vector<16xi32>], vector<16xf32>, vector<16xi1>
            tpu.vector_store_idx %arg8[%add3A_172, %add3A_183], %gather3A masked %ge3A_155 : memref<1024x64xf32, #tpu.memory_space<vmem>>[vector<16xi32>, vector<16xi32>], vector<16xf32>, vector<16xi1>
          }
          %scan3A_178 = arith.constant 64 : i32
        } else {
        }
      }
      %scan3A_149 = arith.constant 64 : i32
      "tpu.region"() ({
        %run_scoped3A = tpu.sem_alloc : memref<!tpu.dma_semaphore, #tpu.memory_space<semaphore_mem>>
        %dma_start3A_150 = arith.constant 0 : i32
        %dma_start3A_151 = tpu.memref_slice %arg5[%add3A_11, %dma_start3A_150] : memref<819200x64xf32, #tpu.memory_space<hbm>> -> memref<1024x64xf32, #tpu.memory_space<hbm>>
        %dma_start3A_152 = arith.constant 0 : i32
        %dma_start3A_153 = tpu.memref_slice %arg5[%add3A_11, %dma_start3A_152] : memref<819200x64xf32, #tpu.memory_space<hbm>> -> memref<1024x64xf32, #tpu.memory_space<hbm>>
        tpu.enqueue_dma source(%arg8 : memref<1024x64xf32, #tpu.memory_space<vmem>>) target(%dma_start3A_153 : memref<1024x64xf32, #tpu.memory_space<hbm>>) target_semaphore(%run_scoped3A : memref<!tpu.dma_semaphore, #tpu.memory_space<semaphore_mem>>)
        %dma_wait3A_154 = arith.constant 0 : i32
        %dma_wait3A_155 = tpu.memref_slice %arg5[%add3A_11, %dma_wait3A_154] : memref<819200x64xf32, #tpu.memory_space<hbm>> -> memref<1024x64xf32, #tpu.memory_space<hbm>>
        %dma_wait3A_156 = arith.constant 0 : i32
        %dma_wait3A_157 = tpu.memref_slice %arg5[%add3A_11, %dma_wait3A_156] : memref<819200x64xf32, #tpu.memory_space<hbm>> -> memref<1024x64xf32, #tpu.memory_space<hbm>>
        tpu.wait_dma2 semaphore(%run_scoped3A : memref<!tpu.dma_semaphore, #tpu.memory_space<semaphore_mem>>) src(%arg8 : memref<1024x64xf32, #tpu.memory_space<vmem>>) dst(%dma_wait3A_157 : memref<1024x64xf32, #tpu.memory_space<hbm>>)
        tpu.yield
      }) : () -> ()
    }
    %scan3A_7 = arith.constant 25 : i32
    return
  }
}

</mosaic_0001>

<sc_bundles>
// kernel: kernel.3.cloned.1.call-start
scs
__scs_entry_jumppad:
0x0: {  	(pc) =	sbr.rel $0x88, $3  }
0x1: {  	(tag) =	ssettag $0x0;
	lr =	simm.s32 $0x1  }
0x2: {  	[smem:$0x3F9E] =	sst lr;
	_ =	strace $0xD0000000  }
0x3: {  	_ = 	snop  }
0x4: {  	_ = 	snop  }
0x5: {  	_ = 	snop  }
0x6: {  	_ = 	snop  }
0x7: {  	_ = 	snop  }
__scs_overlays_trampoline_lowered:
0x8: {  	[smem:$0x3FAD] =	sst s0  }
0x9: {  	[smem:$0x3FAE] =	sst s1  }
0xa: {  	[smem:$0x3FAF] =	sst s2  }
0xb: {  	[smem:$0x3FB0] =	sst s3  }
0xc: {  	[smem:$0x3FB1] =	sst s4  }
0xd: {  	[smem:$0x3FB2] =	sst s5  }
0xe: {  	[smem:$0x3FB3] =	sst s6  }
0xf: {  	[smem:$0x3FB4] =	sst s7  }
0x10: {  	[smem:$0x3FB5] =	sst s8  }
0x11: {  	[smem:$0x3FB6] =	sst s9;
	s0 =	simm.s32 @!p0 $0x0  }
0x12: {  	s1 =	sld [smem:$0x3F9C];
	s0 =	simm.s32 @p0 $0x1  }
0x13: {  	[smem:$0x3FB7] =	sst s0;
	s0 =	simm.s32 @!p1 $0x0  }
0x14: {  	s2 =	sld [smem:$0x3F9B];
	s0 =	simm.s32 @p1 $0x1  }
0x15: {  	[smem:$0x3FB8] =	sst s0;
	s0 =	simm.s32 @!p2 $0x0  }
0x16: {  	s3 =	sld [smem:$0x3FDB];
	s0 =	simm.s32 @p2 $0x1  }
0x17: {  	s4 =	simm.s32 $0x1BF5;
	[smem:$0x3FBA] =	sst s0  }
0x18: {  	s0 =	sld [smem:$0x3F9D];
	_ =	swait.ge [sflag:s4], $0x0  }
0x19: {  	s7 =	sld [smem:$0x3F9E]  }
0x1a: {  	s8 =	sadd.s32 $0xFFFFE003, lr  }
0x1b: {  	s9 =	sadd.s32 $0xFFFFFEF7, lr;
	s5 =	simm.s32 $0xFFFFFFFF;
	p2 =	slt.u32 s8, $0xFFFFF086  }
0x1c: {  	p1 =	slt.u32 s9, $0xF7A;
	s5 =	simm.s32 @!p2 $0x0  }
0x1d: {  	s5 =	simm.s32 @p1 $0x1;
	p0 =	seq.s32 s7, s2  }
0x1e: {  	s7 =	smul.u32 @!p0 $0xF7A, s2;
	p2 =	seq.s32 @!p0 s5, $0x0  }
0x1f: {  	s9 =	smul.u32 $0xF7A, s1;
	s8 =	simm.s32 @!p0 $0x1BF5;
	p2 =	por !p2, p0  }
0x20: {  	[sflag:s8] =	ssyncset.s32 @!p0 $0xFFFFF086;
	s6 =	sadd.s32 @!p0 s3, s7;
	s7 =	simm.s32 @!p0 $0x108  }
0x21: {  	s3 =	sadd.s32 s3, s9;
	s6 =	sadd.s32 @!p0 $0x88, s6;
	s7 =	simm.s32 @p2 $0x1082  }
0x22: {  	[simem:s7], [sflag:s8] =	dma.local @!p0 [hbm:s6], $0xF7A  }
0x23: {  	s9 =	sor.u32 $0xD0000000, s2;
	s6 =	simm.s32 $0x108;
	_ =	swait.ge @!p0 [sflag:s8], $0x0  }
0x24: {  	s3 =	sadd.s32 $0x88, s3;
	s6 =	simm.s32 @!p1 $0x1082;
	[sflag:s4] =	ssyncset.s32 $0xFFFFF086  }
0x25: {  	[simem:s6], [sflag:s4] =	dma.local [hbm:s3], $0xF7A  }
0x26: {  	[smem:$0x3F9E] =	sst s1;
	(tag) =	ssettag s2;
	_ =	strace s9  }
0x27: {  	s1 =	sld [smem:$0x3FAE]  }
0x28: {  	s2 =	sld [smem:$0x3FAF]  }
0x29: {  	s4 =	sld [smem:$0x3FB1]  }
0x2a: {  	p0 =	seq.s32 s5, $0x0;
	s5 =	sld [smem:$0x3FB2]  }
0x2b: {  	s6 =	sld [smem:$0x3FB3]  }
0x2c: {  	s7 =	sld [smem:$0x3FB4]  }
0x2d: {  	s3 =	simm.s32 $0x108;
	s8 =	sld [smem:$0x3FB5]  }
0x2e: {  	s3 =	simm.s32 @!p0 $0x1082;
	s9 =	sld [smem:$0x3FB6]  }
0x2f: {  	lr =	sadd.s32 s0, s3;
	s0 =	sld [smem:$0x3FAD]  }
0x30: {  	s3 =	sld [smem:$0x3FB0]  }
0x31: {  	[smem:$0x3FB9] =	sst s10  }
0x32: {  	s10 =	sld [smem:$0x3FB7];
	_ =	sdelay $0x3  }
0x33: {  	p0 =	seq.s32 s10, $0x1;
	s10 =	sld [smem:$0x3FB9];
	_ =	sdelay $0x3  }
0x34: {  	[smem:$0x3FB9] =	sst s10  }
0x35: {  	s10 =	sld [smem:$0x3FB8];
	_ =	sdelay $0x3  }
0x36: {  	p1 =	seq.s32 s10, $0x1;
	s10 =	sld [smem:$0x3FB9];
	_ =	sdelay $0x3  }
0x37: {  	[smem:$0x3FB9] =	sst s10  }
0x38: {  	s10 =	sld [smem:$0x3FBA]  }
0x39: {  	_ = 	snop;
	(pc) =	sbr.ind lr, $3  }
0x3a: {  	_ = 	snop  }
0x3b: {  	_ = 	snop  }
0x3c: {  	p2 =	seq.s32 s10, $0x1;
	s10 =	sld [smem:$0x3FB9]  }
0x3d: {  	_ =	shalt  }
0x3e: {  	_ =	shalt  }
0x3f: {  	_ =	shalt  }
0x40: {  	_ =	shalt  }
0x41: {  	_ =	shalt  }
0x42: {  	_ =	shalt  }
0x43: {  	_ =	shalt  }
0x44: {  	_ =	shalt  }
0x45: {  	_ =	shalt  }
0x46: {  	_ =	shalt  }
0x47: {  	_ =	shalt  }
0x48: {  	_ =	shalt  }
0x49: {  	_ =	shalt  }
0x4a: {  	_ =	shalt  }
0x4b: {  	_ =	shalt  }
0x4c: {  	_ =	shalt  }
0x4d: {  	_ =	shalt  }
0x4e: {  	_ =	shalt  }
0x4f: {  	_ =	shalt  }
0x50: {  	_ =	shalt  }
0x51: {  	_ =	shalt  }
0x52: {  	_ =	shalt  }
0x53: {  	_ =	shalt  }
0x54: {  	_ =	shalt  }
0x55: {  	_ =	shalt  }
0x56: {  	_ =	shalt  }
0x57: {  	_ =	shalt  }
0x58: {  	_ =	shalt  }
0x59: {  	_ =	shalt  }
0x5a: {  	_ =	shalt  }
0x5b: {  	_ =	shalt  }
0x5c: {  	_ =	shalt  }
0x5d: {  	_ =	shalt  }
0x5e: {  	_ =	shalt  }
0x5f: {  	_ =	shalt  }
0x60: {  	_ =	shalt  }
0x61: {  	_ =	shalt  }
0x62: {  	_ =	shalt  }
0x63: {  	_ =	shalt  }
0x64: {  	_ =	shalt  }
0x65: {  	_ =	shalt  }
0x66: {  	_ =	shalt  }
0x67: {  	_ =	shalt  }
0x68: {  	_ =	shalt  }
0x69: {  	_ =	shalt  }
0x6a: {  	_ =	shalt  }
0x6b: {  	_ =	shalt  }
0x6c: {  	_ =	shalt  }
0x6d: {  	_ =	shalt  }
0x6e: {  	_ =	shalt  }
0x6f: {  	_ =	shalt  }
0x70: {  	_ =	shalt  }
0x71: {  	_ =	shalt  }
0x72: {  	_ =	shalt  }
0x73: {  	_ =	shalt  }
0x74: {  	_ =	shalt  }
0x75: {  	_ =	shalt  }
0x76: {  	_ =	shalt  }
0x77: {  	_ =	shalt  }
0x78: {  	_ =	shalt  }
0x79: {  	_ =	shalt  }
0x7a: {  	_ =	shalt  }
0x7b: {  	_ =	shalt  }
0x7c: {  	_ =	shalt  }
0x7d: {  	_ =	shalt  }
0x7e: {  	_ =	shalt  }
0x7f: {  	_ =	shalt  }
0x80: {  	_ =	shalt  }
0x81: {  	_ =	shalt  }
0x82: {  	_ =	shalt  }
0x83: {  	_ =	shalt  }
0x84: {  	_ =	shalt  }
0x85: {  	_ =	shalt  }
0x86: {  	_ =	shalt  }
0x87: {  	_ =	shalt  }
.Lfunc_end0:
.L_simem_size_0:
called_computation.1_lowered:
.L_overlay_start_0:
0x88: {  	s2 =	sld [smem:$0x3FD9]  }
0x89: {  	s3 =	sld [smem:$0x3FFE];
	_ =	sdelay $0x1  }
0x8a: {  	s1 =	srdreg.scid  }
0x8b: {  	s0 =	sand.u32 $0x1, s1  }
0x8c: {  	s17 =	sshll.u32 s0, $0xA;
	s2 =	sadd.s32 s3, s2  }
0x8d: {  	s2 =	sadd.s32 s2, s17  }
0x8e: {  	[smem:$0x3FC5] =	sst s2  }
0x8f: {  	_ = 	snop  }
0x90: {  	s2 =	sld [smem:$0x3FD0];
	(tm) =	ssettm $0x1  }
0x91: {  	s18 =	sld [smem:$0x3FFB];
	_ =	sdelay $0x3  }
0x92: {  	_ =	strace s18  }
0x93: {  	s3 =	sld [smem:$0x3FFC];
	_ =	sdelay $0x3  }
0x94: {  	_ =	strace s3  }
0x95: {  	s3 =	sld [smem:$0x3FFD];
	_ =	sdelay $0x3  }
0x96: {  	_ =	strace s3  }
0x97: {  	_ =	strace $0x8FFFFFFF  }
0x98: {  	s19 =	sld [smem:$0x3FDB];
	_ =	sdelay $0x1  }
0x99: {  	s4 =	simm.s32 $_scs_section_size  }
0x9a: {  	s5 =	simm.s32 $_size__tile_overlayer_lowered;
	s6 =	simm.s32 $_tile_overlayer_lowered  }
0x9b: {  	s22 =	simm.s32 $0x1BFF;
	s21 =	sshll.u32 s6, $0x1;
	s3 =	sadd.s32 s4, s19  }
0x9c: {  	s7 =	simm.s32 $0x0;
	s20 =	sshll.u32 s5, $0x1;
	s5 =	sadd.s32 s21, s3  }
0x9d: {  	[timem:s7], [sflag:s22] =	dma.local [hbm:s5], s20  }
0x9e: {  	_ =	swait.ge [sflag:s22], s20  }
0x9f: {  	s4 =	ssub.s32 $0x0, s20;
	[sflag:s22] =	ssyncset.done $0x0  }
0xa0: {  	[sflag:s22] =	ssyncadd.s32 s4;
	_ =	sdelay $0x1  }
0xa1: {  	s23 =	simm.s32 $0x1B8B  }
0xa2: {  	_ =	swait.ge [sflag:s23], $0x1  }
0xa3: {  	[sflag:s23] =	ssyncset.done $0x0  }
0xa4: {  	s25 =	simm.s32 $0x1B8E;
	s24 =	sld [smem:$0x3FFE];
	[sflag:s23] =	ssyncadd.s32 $0xFFFFFFFF  }
0xa5: {  	s26 =	simm.s32 $execute0_lowered;
	[smem:$0x3FD2] =	sst s25  }
0xa6: {  	s5 =	sshll.u32 s26, $0x1;
	_ =	strace $0x80000046;
	[dreg:$0x1] =	wrdreg $0xFFFFFFFF  }
0xa7: {  	s28 =	simm.s32 $_size_execute0_lowered;
	s3 =	sadd.s32 s3, s5;
	[dreg:$0x0] =	wrdreg $0x0  }
0xa8: {  	s5 =	sshll.u32 s28, $0x1;
	[dreg:$0x2] =	wrdreg s3  }
0xa9: {  	[dreg:$0x3] =	wrdreg s5  }
0xaa: {  	[dreg:$0x4] =	wrdreg $0xC0  }
0xab: {  	_ =	task [dreg:s7], $0x5FFFF  }
0xac: {  	[dreg:$0x1] =	wrdreg $0xFFFFFFFF  }
0xad: {  	[dreg:$0x0] =	wrdreg $0x60  }
0xae: {  	[dreg:$0x2] =	wrdreg s24  }
0xaf: {  	[dreg:$0x3] =	wrdreg s2  }
0xb0: {  	[dreg:$0x4] =	wrdreg $0x9  }
0xb1: {  	_ =	task.clear_ibuf [dreg:s7], $0x5FFFF;
	_ =	strace $0x90000046  }
0xb2: {  	s29 =	simm.s32 $0x9;
	_ =	strace $0x80000048  }
0xb3: {  	_ =	swait.ge [sflag:s29], $0x1  }
0xb4: {  	[sflag:s29] =	ssyncadd.s32 $0xFFFFFFFF  }
0xb5: {  	_ =	strace $0x90000048  }
0xb6: {  	_ =	sfence  }
0xb7: {  	s30 =	sld [smem:$0x0];
	_ =	sdelay $0x2  }
0xb8: {  	s31 =	sshll.u32 s1, $0xD;
	s1 =	sshrl.u32 s1, $0x2  }
0xb9: {  	s3 =	sand.u32 $0x4000, s31;
	s1 =	sadd.s32 s1, s30  }
0xba: {  	s0 =	sor.u32 s3, s0;
	s1 =	sshll.u32 s1, $0x11  }
0xbb: {  	s0 =	sor.u32 s1, s0  }
0xbc: {  	s0 =	sadd.s32 $0x8F2B, s0  }
0xbd: {  	[sflag:s0] =	ssyncadd.remote.s32 $0x1  }
0xbe: {  	_ =	sfence.sel $0xFFFF  }
0xbf: {  	[dreg:$0x0] =	wrdreg $0xFFFFFFFF;
	(pc) =	sbr.abs _section_cstart, $3  }
0xc0: {  	[dreg:$0x1] =	wrdreg $0xFFFFFFFF  }
0xc1: {  	_ =	task.clear_ibuf [dreg:s7], $0x2FFFF;
	_ =	strace $0x9FFFFFFF  }
0xc2: {  	(tm) =	ssettm $0x7FFFFFFF  }
0xc3: {  	_ =	shalt  }
tec
execute0_lowered:
.L_overlay_start_1:
0x0: {  	(tag) =	ssettag $0x1  }
0x1: {  	s0 =	rddreg [dreg:$0x0]  }
0x2: {  	s1 =	rddreg [dreg:$0x1];
	s2 =	simm.s32 $0x0  }
0x3: {  	s3 =	srdreg.scid;
	s5 =	stileid.u32;
	s9 =	simm.s32 $0x10800  }
0x4: {  	s10 =	simm.s32 $0x2;
	s11 =	simm.s32 $0x80;
	s12 =	simm.s32 $0x400  }
0x5: {  	s13 =	simm.s32 $0x800;
	s14 =	simm.s32 $0x480;
	s15 =	simm.s32 $0x2800  }
0x6: {  	s16 =	simm.s32 $0x500;
	s17 =	simm.s32 $0x4800;
	s18 =	simm.s32 $0x580  }
0x7: {  	s19 =	simm.s32 $0x6800;
	s20 =	simm.s32 $0x600;
	s21 =	simm.s32 $0x8800  }
0x8: {  	s22 =	simm.s32 $0x680;
	s23 =	simm.s32 $0xA800;
	s24 =	simm.s32 $0x700  }
0x9: {  	s25 =	simm.s32 $0xC800;
	s26 =	simm.s32 $0x780;
	s28 =	simm.s32 $0xE800  }
0xa: {  	s29 =	simm.s32 $0x1;
	[smem:$0x7FF] =	sst s2;
	s3 =	sand.u32 $0x1, s3  }
.Ltmp0:
0xb: {  	s4 =	sadd.s32 $0xC00, s0;
	s6 =	ssub.s32 $0x2, s3;
	(pc) =	sbr.rel .LBB2_1-.Ltmp0, $4  }
0xc: {  	s8 =	sshll.u32 s5, $0x1;
	s5 =	sadd.s32 $0x19C00, s0;
	s7 =	sshrl.u32 s6, $0x1  }
0xd: {  	s0 =	sadd.s32 $0x800, s0;
	_ =	strace $0x80000047;
	s6 =	ssub.s32 s6, s7  }
0xe: {  	v1 =	vlaneseq.u32;
	s3 =	sor.u32 s3, s8;
	[dreg:$0x3] =	wrdreg s0;
	s31 =	smax.u32 s6, $0x1  }
0xf: {  	v0 =	vimm.f32 $0.0e+00;
	s30 =	simm.s32 $0x0;
	v1 =	vmul.u32 $0x40, v1;
	s7 =	smul.u32 $0x6400, s3;
	[dreg:$0x4] =	wrdreg s31  }
.LBB2_11:
0x10: {  	s30 =	sadd.s32 $0x1, s30;
	s0 =	rddreg [dreg:$0x4]  }
0x11: {  	p0 =	sne.s32 s30, s0  }
.Ltmp1:
0x12: {  	_ = 	snop;
	(pc) =	sbr.rel @!p0 .LBB2_12-.Ltmp1, $1  }
0x13: {  	_ =	sdelay $0x3  }
.LBB2_1:
.Ltmp2:
0x14: {  	s0 =	rddreg [dreg:$0x3];
	(pc) =	sbr.rel .LBB2_2-.Ltmp2, $4  }
0x15: {  	[tilespmem:s9], [sflag:$0x2] =	stream.linear.gather [hbm4b:s0+s2], $0x1900, $0x38;
	[tilespmem:$0x12800] =	vst v63  }
0x16: {  	_ =	swait.ge [sflag:s10], $0x1900  }
0x17: {  	[sflag:s10] =	ssyncset.done $0x0  }
0x18: {  	s31 =	simm.s32 $0x0;
	[sflag:s10] =	ssyncadd.s32 $0xFFFFE700  }
.LBB2_10:
0x19: {  	s31 =	sadd.s32 $0x1, s31  }
0x1a: {  	s0 =	sshll.u32 s0, $0x3;
	p0 =	sne.s32 s31, $0x19  }
.Ltmp3:
0x1b: {  	s0 =	sadd.s32 s1, s0;
	(pc) =	sbr.rel @!p0 .LBB2_11-.Ltmp3, $4  }
0x1c: {  	[hbm4b:s0+s2] =	stream.linear.scatter [tilespmem:s13], [sflag:$0x2], $0x10000, $0x38;
	[tilespmem:$0x12800] =	vst v63  }
0x1d: {  	_ =	swait.ge [sflag:s10], $0x10000  }
0x1e: {  	[sflag:s10] =	ssyncset.done $0x0  }
0x1f: {  	[sflag:s10] =	ssyncadd.s32 $0xFFFF0000  }
.LBB2_2:
0x20: {  	s0 =	sshll.u32 s31, $0xA  }
0x21: {  	s0 =	sadd.s32 s7, s0  }
0x22: {  	s3 =	sshrl.u32 s0, $0x3  }
0x23: {  	s6 =	simm.s32 $0x0;
	s3 =	sadd.s32 s4, s3  }
0x24: {  	[tilespmem:s6], [sflag:$0x2] =	stream.linear.gather [hbm4b:s3+s6], $0x400, $0x38;
	[tilespmem:$0x12800] =	vst v63  }
0x25: {  	_ =	swait.ge [sflag:s10], $0x400  }
0x26: {  	[sflag:s10] =	ssyncset.done $0x0  }
0x27: {  	s3 =	simm.s32 $0x0;
	[sflag:s10] =	ssyncadd.s32 $0xFFFFFC00  }
0x28: {  	v2 =	vld [tilespmem:s3+$0x0]  }
0x29: {  	s6 =	simm.s32 $0x40  }
.LBB2_3:
0x2a: {  	p0 =	sne.s32 s6, $0xFC0  }
.Ltmp4:
0x2b: {  	_ = 	snop;
	(pc) =	sbr.rel @p0 .LBB2_3-.Ltmp4, $4  }
0x2c: {  	_ = 	snop  }
0x2d: {  	s8 =	sshra.s32 s6, $0x2;
	s6 =	sadd.s32 $0x40, s6;
	vm0 =	vgt.s32 v2, $0x1869F  }
0x2e: {  	v3 =	vsel vm0, $0x0, v2;
	v2 =	vld [tilespmem:s8+$0x0]  }
0x2f: {  	[tilespmem:s3+$0x400] =	vst v3;
	s3 =	smov.u32 s8  }
0x30: {  	_ =	sdelay $0x2  }
0x31: {  	vm0 =	vgt.s32 v2, $0x1869F  }
0x32: {  	v2 =	vsel vm0, $0x0, v2  }
0x33: {  	[tilespmem:s3+$0x400] =	vst v2  }
0x34: {  	[tilespmem:s13], [sflag:$0x1] =	stream.indirect.gather [hbm4b:s5+s11], $0x40, s12, s11, $0xb8;
	[tilespmem:$0x12800] =	vst v63  }
0x35: {  	_ = 	snop  }
0x36: {  	[tilespmem:s15], [sflag:$0x1] =	stream.indirect.gather [hbm4b:s5+s11], $0x40, s14, s11, $0xb8;
	[tilespmem:$0x12800] =	vst v63  }
0x37: {  	_ = 	snop  }
0x38: {  	[tilespmem:s17], [sflag:$0x1] =	stream.indirect.gather [hbm4b:s5+s11], $0x40, s16, s11, $0xb8;
	[tilespmem:$0x12800] =	vst v63  }
0x39: {  	_ = 	snop  }
0x3a: {  	[tilespmem:s19], [sflag:$0x1] =	stream.indirect.gather [hbm4b:s5+s11], $0x40, s18, s11, $0xb8;
	[tilespmem:$0x12800] =	vst v63  }
0x3b: {  	_ = 	snop  }
0x3c: {  	[tilespmem:s21], [sflag:$0x1] =	stream.indirect.gather [hbm4b:s5+s11], $0x40, s20, s11, $0xb8;
	[tilespmem:$0x12800] =	vst v63  }
0x3d: {  	_ = 	snop  }
0x3e: {  	[tilespmem:s23], [sflag:$0x1] =	stream.indirect.gather [hbm4b:s5+s11], $0x40, s22, s11, $0xb8;
	[tilespmem:$0x12800] =	vst v63  }
0x3f: {  	_ = 	snop  }
0x40: {  	[tilespmem:s25], [sflag:$0x1] =	stream.indirect.gather [hbm4b:s5+s11], $0x40, s24, s11, $0xb8;
	[tilespmem:$0x12800] =	vst v63  }
0x41: {  	_ = 	snop  }
0x42: {  	[tilespmem:s28], [sflag:$0x1] =	stream.indirect.gather [hbm4b:s5+s11], $0x40, s26, s11, $0xb8;
	[tilespmem:$0x12800] =	vst v63  }
0x43: {  	_ =	swait.ge [sflag:s29], $0x2000  }
0x44: {  	[sflag:s29] =	ssyncset.done $0x0  }
0x45: {  	[sflag:s29] =	ssyncadd.s32 $0xFFFFE000  }
0x46: {  	_ =	swait.ge [sflag:s29], $0x2000  }
0x47: {  	[sflag:s29] =	ssyncset.done $0x0  }
0x48: {  	[sflag:s29] =	ssyncadd.s32 $0xFFFFE000  }
0x49: {  	_ =	swait.ge [sflag:s29], $0x2000  }
0x4a: {  	[sflag:s29] =	ssyncset.done $0x0  }
0x4b: {  	[sflag:s29] =	ssyncadd.s32 $0xFFFFE000  }
0x4c: {  	_ =	swait.ge [sflag:s29], $0x2000  }
0x4d: {  	[sflag:s29] =	ssyncset.done $0x0  }
0x4e: {  	[sflag:s29] =	ssyncadd.s32 $0xFFFFE000  }
0x4f: {  	_ =	swait.ge [sflag:s29], $0x2000  }
0x50: {  	[sflag:s29] =	ssyncset.done $0x0  }
0x51: {  	[sflag:s29] =	ssyncadd.s32 $0xFFFFE000  }
0x52: {  	_ =	swait.ge [sflag:s29], $0x2000  }
0x53: {  	[sflag:s29] =	ssyncset.done $0x0  }
0x54: {  	[sflag:s29] =	ssyncadd.s32 $0xFFFFE000  }
0x55: {  	_ =	swait.ge [sflag:s29], $0x2000  }
.Ltmp5:
0x56: {  	[sflag:s29] =	ssyncset.done $0x0;
	(pc) =	sbr.rel .LBB2_5-.Ltmp5, $4  }
0x57: {  	[sflag:s29] =	ssyncadd.s32 $0xFFFFE000  }
0x58: {  	_ =	swait.ge [sflag:s29], $0x2000  }
0x59: {  	[sflag:s29] =	ssyncset.done $0x0  }
0x5a: {  	s3 =	simm.s32 $0x0;
	[sflag:s29] =	ssyncadd.s32 $0xFFFFE000  }
.LBB2_8:
0x5b: {  	_ =	sdelay $0x3  }
0x5c: {  	v8 =	vand.u32 $0x38, v6;
	v5 =	vor.u32 v3, v5  }
0x5d: {  	v7 =	vld.idx.msk [tilespmem:v7+s9+$0x0], vm0;
	v63 =	vand.u32 $0x7, v6;
	v2 =	vor.u32 v2, v8;
	v4 =	vor.u32 v4, v5  }
0x5e: {  	v2 =	vor.u32 v63, v2;
	_ =	sdelay $0x3  }
0x5f: {  	v3 =	vor.u32 v3, v8;
	[tilespmem:v4+s13+$0x0] =	vst.idx.msk vm0, v7  }
0x60: {  	v3 =	vor.u32 v63, v3;
	v2 =	vld.idx.msk [tilespmem:v2+s9+$0x0], vm0;
	_ =	sdelay $0x4  }
0x61: {  	[tilespmem:v3+s13+$0x0] =	vst.idx.msk vm0, v2  }
.LBB2_9:
0x62: {  	s3 =	sadd.s32 $0x1, s3  }
0x63: {  	p0 =	sne.s32 s3, $0x40  }
.Ltmp6:
0x64: {  	_ = 	snop;
	(pc) =	sbr.rel @!p0 .LBB2_10-.Ltmp6, $1  }
0x65: {  	_ =	sdelay $0x3  }
.LBB2_5:
0x66: {  	s6 =	sshll.u32 s3, $0x4  }
0x67: {  	v2 =	vld [tilespmem:s6+$0x0];
	_ =	sdelay $0x4  }
0x68: {  	vm0 =	vgt.s32 v2, $0x1869F  }
0x69: {  	v3 =	vsel vm0, $0x3F800000, v0  }
0x6a: {  	(xrf0) =	vmax.scan.msk.f32 $0xffff, v3;
	_ =	sdelay $0x5  }
0x6b: {  	v3, _, _ =	vpop (xrf0)  }
0x6c: {  	(v2sf) =	vpush v3, $0xF;
	_ =	sdelay $0xe  }
0x6d: {  	s8 =	spop (v2sf)  }
0x6e: {  	p0 =	sgt.f32 s8, $0.0e+00  }
.Ltmp7:
0x6f: {  	_ = 	snop;
	(pc) =	sbr.rel @!p0 .LBB2_9-.Ltmp7, $1  }
0x70: {  	_ =	sdelay $0x3  }
0x71: {  	vm1 =	vgt.s32 v2, $0x186A0  }
0x72: {  	s8 =	simm.s32 $0x0;
	v2 =	vnsel vm1, $0x186A0, v2  }
0x73: {  	v3 =	vmov s8;
	v2 =	vshll.u32 v2, $0x6  }
0x74: {  	v4 =	vmov s6;
	v5 =	vand.u32 $0x38, v3;
	v2 =	vadd.s32 $0xFF9E5800, v2  }
0x75: {  	v6 =	vshll.u32 v4, $0x6;
	v4 =	vand.u32 $0x7, v3;
	v7 =	vor.u32 v2, v5  }
0x76: {  	v7 =	vor.u32 v4, v7;
	_ =	sdelay $0x2  }
0x77: {  	s8 =	simm.s32 $0x1  }
0x78: {  	s6 =	simm.s32 $0x2;
	v3 =	vor.u32 v1, v6;
	v6 =	vmov s8  }
.LBB2_7:
0x79: {  	p0 =	sne.s32 s6, $0x3F;
	v8 =	vld.idx.msk [tilespmem:v7+s9+$0x0], vm0;
	v7 =	vor.u32 v3, v5;
	v5 =	vand.u32 $0x38, v6  }
0x7a: {  	v9 =	vor.u32 v2, v5;
	v10 =	vor.u32 v4, v7;
	v4 =	vand.u32 $0x7, v6  }
.Ltmp8:
0x7b: {  	v7 =	vor.u32 v4, v9;
	(pc) =	sbr.rel @p0 .LBB2_7-.Ltmp8, $2  }
0x7c: {  	_ =	sdelay $0x2  }
0x7d: {  	v6 =	vmov s6;
	s6 =	sadd.s32 $0x1, s6;
	[tilespmem:v10+s13+$0x0] =	vst.idx.msk vm0, v8  }
.Ltmp9:
0x7e: {  	_ = 	snop;
	(pc) =	sbr.rel .LBB2_8-.Ltmp9, $1  }
0x7f: {  	_ =	sdelay $0x3  }
.LBB2_12:
0x80: {  	_ =	sfence.sel $0x180000  }
0x81: {  	[bflag:$0x0] =	sbarrier.arrive $0xFFFF  }
0x82: {  	_ =	strace $0x90000047  }
0x83: {  	s0 =	stileid.u32;
	[bflag:$0x2] =	sbarrier.arrive $0xFFFF  }
0x84: {  	p0 =	sne.s32 s0, $0x0;
	s0 =	rddreg [dreg:$0x2]  }
0x85: {  	s0 =	sadd.s32 @!p0 $0x100000, s0  }
0x86: {  	[sflag:s0] =	ssyncadd.tile.s32 @!p0 $0x1;
	_ =	shalt  }
.Lfunc_end2:
_tile_overlayer_lowered:
.L_overlay_start_2:
0x87: {  	(tag) =	ssettag $0x2  }
0x88: {  	s0 =	rddreg [dreg:$0x0];
	s2 =	stileid.u32  }
0x89: {  	s1 =	rddreg [dreg:$0x1];
	p0 =	sne.s32 s2, $0x0  }
0x8a: {  	s3 =	rddreg [dreg:$0x2];
	[bflag:$0x3] =	sbarrier.arrive $0xFFFF;
	s2 =	simm.s32 @!p0 $0x1C02  }
0x8b: {  	[timem:s3], [sflag:s2] =	dma.local @!p0 [hbm:s0], s1  }
0x8c: {  	s0 =	simm.s32 @!p0 $0x2  }
0x8d: {  	_ =	swait.ge @!p0 [sflag:s0], s1  }
0x8e: {  	s1 =	ssub.s32 @!p0 $0x0, s1;
	[sflag:s0] =	ssyncset.done @!p0 $0x0  }
0x8f: {  	[sflag:s0] =	ssyncadd.s32 @!p0 s1  }
0x90: {  	[bflag:$0x3] =	sbarrier.arrive $0xFFFF  }
0x91: {  	_ =	shalt  }

// kernel: sparse-core-data-format-call.cloned.1.call-start
scs
called_computation_lowered:
.L_overlay_start_0:
0x0: {  	s2 =	sld [smem:$0x3FD9]  }
0x1: {  	s3 =	sld [smem:$0x3FFE];
	_ =	sdelay $0x1  }
0x2: {  	s1 =	srdreg.scid  }
0x3: {  	s0 =	sand.u32 $0x1, s1  }
0x4: {  	s18 =	sshll.u32 s0, $0xA;
	s2 =	sadd.s32 s3, s2  }
0x5: {  	s2 =	sadd.s32 s2, s18  }
0x6: {  	[smem:$0x3FC5] =	sst s2  }
0x7: {  	_ = 	snop  }
0x8: {  	s2 =	sld [smem:$0x3FD0];
	(tm) =	ssettm $0x1  }
0x9: {  	s19 =	sld [smem:$0x3FFB];
	_ =	sdelay $0x3  }
0xa: {  	_ =	strace s19  }
0xb: {  	s3 =	sld [smem:$0x3FFC];
	_ =	sdelay $0x3  }
0xc: {  	_ =	strace s3  }
0xd: {  	s3 =	sld [smem:$0x3FFD];
	_ =	sdelay $0x3  }
0xe: {  	_ =	strace s3  }
0xf: {  	_ =	strace $0x8FFFFFFF  }
0x10: {  	s20 =	sld [smem:$0x3FDB];
	_ =	sdelay $0x1  }
0x11: {  	s4 =	simm.s32 $_scs_section_size  }
0x12: {  	s5 =	simm.s32 $_size__tile_overlayer_lowered;
	s6 =	simm.s32 $_tile_overlayer_lowered  }
0x13: {  	s23 =	simm.s32 $0x1BFF;
	s22 =	sshll.u32 s6, $0x1;
	s3 =	sadd.s32 s4, s20  }
0x14: {  	s7 =	simm.s32 $0x0;
	s21 =	sshll.u32 s5, $0x1;
	s5 =	sadd.s32 s22, s3  }
0x15: {  	[timem:s7], [sflag:s23] =	dma.local [hbm:s5], s21  }
0x16: {  	_ =	swait.ge [sflag:s23], s21  }
0x17: {  	s4 =	ssub.s32 $0x0, s21;
	[sflag:s23] =	ssyncset.done $0x0  }
0x18: {  	[sflag:s23] =	ssyncadd.s32 s4;
	_ =	sdelay $0x1  }
0x19: {  	s24 =	simm.s32 $0x1B8B  }
0x1a: {  	_ =	swait.ge [sflag:s24], $0x1  }
0x1b: {  	[sflag:s24] =	ssyncset.done $0x0  }
0x1c: {  	s26 =	simm.s32 $0x1B8E;
	s25 =	sld [smem:$0x3FFE];
	[sflag:s24] =	ssyncadd.s32 $0xFFFFFFFF  }
0x1d: {  	s27 =	simm.s32 $execute0_lowered;
	[smem:$0x3FD2] =	sst s26  }
0x1e: {  	s5 =	sshll.u32 s27, $0x1;
	_ =	strace $0x80000049;
	[dreg:$0x1] =	wrdreg $0xFFFFFFFF  }
0x1f: {  	s28 =	simm.s32 $_size_execute0_lowered;
	s3 =	sadd.s32 s3, s5;
	[dreg:$0x0] =	wrdreg $0x0  }
0x20: {  	s5 =	sshll.u32 s28, $0x1;
	[dreg:$0x2] =	wrdreg s3  }
0x21: {  	[dreg:$0x3] =	wrdreg s5  }
0x22: {  	[dreg:$0x4] =	wrdreg $0xC0  }
0x23: {  	_ =	task [dreg:s7], $0x5FFFF  }
0x24: {  	[dreg:$0x1] =	wrdreg $0xFFFFFFFF  }
0x25: {  	[dreg:$0x0] =	wrdreg $0x60  }
0x26: {  	[dreg:$0x2] =	wrdreg s25  }
0x27: {  	[dreg:$0x3] =	wrdreg s2  }
0x28: {  	[dreg:$0x4] =	wrdreg $0x9  }
0x29: {  	_ =	task.clear_ibuf [dreg:s7], $0x5FFFF;
	_ =	strace $0x90000049  }
0x2a: {  	s29 =	simm.s32 $0x9;
	_ =	strace $0x8000004B  }
0x2b: {  	_ =	swait.ge [sflag:s29], $0x1  }
0x2c: {  	[sflag:s29] =	ssyncadd.s32 $0xFFFFFFFF  }
0x2d: {  	_ =	strace $0x9000004B  }
0x2e: {  	_ =	sfence  }
0x2f: {  	s30 =	sld [smem:$0x0];
	_ =	sdelay $0x2  }
0x30: {  	s31 =	sshll.u32 s1, $0xD;
	s1 =	sshrl.u32 s1, $0x2  }
0x31: {  	s3 =	sand.u32 $0x4000, s31;
	s1 =	sadd.s32 s1, s30  }
0x32: {  	s0 =	sor.u32 s3, s0;
	s1 =	sshll.u32 s1, $0x11  }
0x33: {  	s0 =	sor.u32 s1, s0  }
0x34: {  	s0 =	sadd.s32 $0x8F2B, s0  }
0x35: {  	[sflag:s0] =	ssyncadd.remote.s32 $0x1  }
0x36: {  	_ =	sfence.sel $0xFFFF  }
0x37: {  	[dreg:$0x0] =	wrdreg $0xFFFFFFFF;
	(pc) =	sbr.abs _section_cstart, $3  }
0x38: {  	[dreg:$0x1] =	wrdreg $0xFFFFFFFF  }
0x39: {  	_ =	task.clear_ibuf [dreg:s7], $0x2FFFF;
	_ =	strace $0x9FFFFFFF  }
0x3a: {  	(tm) =	ssettm $0x7FFFFFFF  }
0x3b: {  	_ =	shalt  }
tec
execute0_lowered:
.L_overlay_start_1:
0x0: {  	(tag) =	ssettag $0x1  }
0x1: {  	s0 =	srdreg.scid  }
0x2: {  	s1 =	sshll.u32 s0, $0x4  }
0x3: {  	s0 =	stileid.u32;
	s1 =	sand.u32 $0x10, s1  }
0x4: {  	s1 =	sor.u32 s0, s1  }
0x5: {  	s6 =	rddreg [dreg:$0x0];
	s4 =	simm.s32 $0x1;
	s2 =	sshll.u32 s1, $0x7  }
0x6: {  	s7 =	simm.s32 $0x2;
	s12 =	simm.s32 $0x0;
	s1 =	ssub.s32 $0x4000, s2  }
0x7: {  	s8 =	simm.s32 $0x20000;
	s13 =	simm.s32 $0x0;
	s3 =	sand.u32 $0xF80, s1  }
0x8: {  	s9 =	simm.s32 $0x0;
	s5 =	sshrl.u32 s1, $0xC;
	p0 =	sne.s32 s3, $0x0  }
.Ltmp0:
0x9: {  	s1 =	rddreg [dreg:$0x2];
	s4 =	simm.s32 @!p0 $0x0;
	(pc) =	sbr.rel .LBB1_1-.Ltmp0, $4  }
0xa: {  	s11 =	simm.s32 $0x0;
	s3 =	rddreg [dreg:$0x1];
	s5 =	sadd.s32 s4, s5  }
0xb: {  	_ =	strace $0x8000004A;
	s4 =	simm.s32 $0x1;
	s5 =	smul.u32 $0x32, s5  }
0xc: {  	s6 =	sadd.s32 $0x800, s6;
	s10 =	smov.u32 s2;
	[sflag:s4] =	ssyncpa.u1 $0x0  }
0xd: {  	p0 =	por $0x0, $0x0;
	[sflag:s7] =	ssyncpa.u1 $0x0;
	s7 =	sor.u32 $0x1, s5  }
.LBB1_4:
0xe: {  	s16 =	sshll.u32 s13, $0x3;
	s17 =	sand.u32 $0x78, s13  }
0xf: {  	s30 =	sand.u32 $0x1F800, s13;
	s12 =	sshll.u32 s12, $0x11;
	s16 =	sand.u32 $0x3C00, s16  }
0x10: {  	[tilespmem:s15+$0x810 ss:$0x81] =	vst.msk $0xffff, v2;
	s31 =	sand.u32 $0x7, s13;
	s16 =	sor.u32 s17, s16;
	s17 =	sadd.s32 s3, s30  }
0x11: {  	[tilespmem:s15+$0x1020 ss:$0x81] =	vst.msk $0xffff, v0;
	s13 =	sshll.u32 s31, $0x12;
	s12 =	sadd.s32 s12, s17;
	s16 =	sshrl.u32 s16, $0x3  }
0x12: {  	[tilespmem:s15+$0x0 ss:$0x81] =	vst.msk $0xffff, v1;
	s13 =	sor.u32 $0x400, s13;
	s12 =	sadd.s32 s16, s12  }
0x13: {  	[hbm4b:s12+s13] =	stream.strided.scatter [tilespmem:s14], [sflag:$0x2], $0x2000, s8, s13, $0x20;
	[tilespmem:$0x8080] =	vst v63  }
.LBB1_5:
0x14: {  	s14 =	sadd.s32 $0x1, s9  }
0x15: {  	s12 =	sadd.s32 $0x1000, s10;
	s16 =	smov.u32 s10;
	p2 =	sgt.s32 s14, $0x31  }
0x16: {  	s16 =	smov.u32 @p2 s12  }
0x17: {  	s14 =	simm.s32 @p2 $0x0;
	p2 =	sgt.s32 s16, $0x3FFF  }
0x18: {  	s16 =	smov.u32 @p2 s2;
	p2 =	sne.s32 s11, s7  }
.Ltmp1:
0x19: {  	p1 =	slt.u32 s11, $0x2;
	(pc) =	sbr.rel @!p2 .LBB1_6-.Ltmp1, $4  }
0x1a: {  	s15 =	simm.s32 @!p1 $0x2  }
0x1b: {  	s13 =	smov.u32 s10;
	p0 =	por !p0, !p0;
	_ =	swait.ge @!p1 [sflag:s15], $0x2000  }
0x1c: {  	s12 =	smov.u32 s9;
	[sflag:s15] =	ssyncset.done @!p1 $0x0;
	s9 =	smov.u32 s14  }
0x1d: {  	s11 =	sadd.s32 $0x1, s11;
	[sflag:s15] =	ssyncadd.s32 @!p1 $0xFFFFE000;
	s10 =	smov.u32 s16  }
.LBB1_1:
0x1e: {  	p1 =	sge.u32 s11, s5  }
0x1f: {  	s14 =	sand.u32 @!p1 $0x1FFFFFF, s9  }
0x20: {  	s15 =	smulhi.u32 @!p1 $0x4924925, s14;
	_ =	sdelay $0x1  }
0x21: {  	s15 =	smul.u32 @!p1 $0x38, s15  }
0x22: {  	s16 =	sxor.u32 @!p1 $0xFFFFFFFF, s11;
	s17 =	smul.u32 @!p1 $0x380, s10  }
0x23: {  	s31 =	sadd.s32 $0xFFFFFFFF, s11;
	s16 =	sshll.u32 @!p1 s16, $0xD;
	s14 =	ssub.s32 @!p1 s14, s15  }
0x24: {  	s15 =	sand.u32 @!p1 $0x2000, s16;
	s16 =	sadd.s32 @!p1 s6, s17;
	s14 =	sshll.u32 @!p1 s14, $0x4  }
0x25: {  	s17 =	simm.s32 @!p1 $0x1C00;
	s14 =	sadd.s32 @!p1 s14, s16;
	s16 =	simm.s32 @!p1 $0x40  }
0x26: {  	[tilespmem:s15], [sflag:$0x1] =	stream.strided.gather @!p1 [hbm4b:s14+s16], $0x2000, s17, s16, $0x38;
	[tilespmem:$0x8080] =	vst v63  }
0x27: {  	p1 =	sge.u32 s31, s5  }
.Ltmp2:
0x28: {  	_ = 	snop;
	(pc) =	sbr.rel @p1 .LBB1_5-.Ltmp2, $1  }
0x29: {  	_ =	sdelay $0x3  }
0x2a: {  	s14 =	simm.s32 $0x1  }
0x2b: {  	_ =	swait.ge [sflag:s4], $0x2000;
	s14 =	simm.s32 @!p0 $0x0  }
0x2c: {  	[sflag:s4] =	ssyncset.done $0x0;
	s15 =	sshll.u32 s14, $0xD  }
0x2d: {  	[sflag:s4] =	ssyncadd.s32 $0xFFFFE000;
	s18 =	sor.u32 $0x20, s15  }
0x2e: {  	s14 =	smul.u32 $0x8100, s14;
	v3 =	vld [tilespmem:s18+$0x10]  }
0x2f: {  	s30 =	sand.u32 $0x1, s11;
	v2 =	vld [tilespmem:s18+$0xFFFFFFF0]  }
0x30: {  	s15 =	smul.u32 $0x8100, s30;
	s14 =	sshrl.u32 s14, $0x2;
	v0 =	vld [tilespmem:s18+$0x0]  }
0x31: {  	v1 =	vld [tilespmem:s18+$0xFFFFFFE0];
	s16 =	sor.u32 $0x4000, s14  }
0x32: {  	s31 =	sshrl.u32 s15, $0x2;
	s15 =	sadd.s32 $0x0, s16  }
0x33: {  	s17 =	simm.s32 $0x4;
	s18 =	sadd.s32 $0x40, s18;
	s14 =	sor.u32 $0x4000, s31;
	[tilespmem:s15+$0x1830 ss:$0x81] =	vst.msk $0xffff, v3  }
.LBB1_3:
0x34: {  	v3 =	vld [tilespmem:s18+$0x10];
	p1 =	sne.s32 s17, $0x1FC;
	[tilespmem:s15+$0x810 ss:$0x81] =	vst.msk $0xffff, v2;
	s19 =	smov.u32 s17;
	s17 =	sadd.s32 $0x4, s17  }
.Ltmp3:
0x35: {  	v2 =	vld [tilespmem:s18+$0xFFFFFFF0];
	[tilespmem:s15+$0x1020 ss:$0x81] =	vst.msk $0xffff, v0;
	(pc) =	sbr.rel @p1 .LBB1_3-.Ltmp3, $4  }
0x36: {  	v0 =	vld [tilespmem:s18+$0x0];
	[tilespmem:s15+$0x0 ss:$0x81] =	vst.msk $0xffff, v1  }
0x37: {  	s15 =	sshra.s32 s19, $0x2;
	v1 =	vld [tilespmem:s18+$0xFFFFFFE0]  }
0x38: {  	s15 =	sadd.s32 s15, s16  }
0x39: {  	s18 =	sadd.s32 $0x40, s18;
	[tilespmem:s15+$0x1830 ss:$0x81] =	vst.msk $0xffff, v3  }
.Ltmp4:
0x3a: {  	_ = 	snop;
	(pc) =	sbr.rel .LBB1_4-.Ltmp4, $1  }
0x3b: {  	_ =	sdelay $0x3  }
.LBB1_6:
0x3c: {  	_ =	sfence.sel $0x180000  }
0x3d: {  	s2 =	simm.s32 $0x1;
	[bflag:$0x0] =	sbarrier.arrive $0xFFFF  }
0x3e: {  	s31 =	simm.s32 $0x2;
	[sflag:s2] =	ssyncpa.u1 $0x1  }
0x3f: {  	[sflag:s31] =	ssyncpa.u1 $0x1  }
0x40: {  	p0 =	sne.s32 s0, $0x0;
	_ =	strace $0x9000004A  }
0x41: {  	s0 =	sadd.s32 @!p0 $0x100000, s1;
	[bflag:$0x2] =	sbarrier.arrive $0xFFFF  }
0x42: {  	[sflag:s0] =	ssyncadd.tile.s32 @!p0 $0x1;
	_ =	shalt  }
.Lfunc_end1:
_tile_overlayer_lowered:
.L_overlay_start_2:
0x43: {  	(tag) =	ssettag $0x2  }
0x44: {  	s0 =	rddreg [dreg:$0x0];
	s2 =	stileid.u32  }
0x45: {  	s1 =	rddreg [dreg:$0x1];
	p0 =	sne.s32 s2, $0x0  }
0x46: {  	s3 =	rddreg [dreg:$0x2];
	[bflag:$0x3] =	sbarrier.arrive $0xFFFF;
	s2 =	simm.s32 @!p0 $0x1C01  }
0x47: {  	[timem:s3], [sflag:s2] =	dma.local @!p0 [hbm:s0], s1  }
0x48: {  	s0 =	simm.s32 @!p0 $0x1  }
0x49: {  	_ =	swait.ge @!p0 [sflag:s0], s1  }
0x4a: {  	s1 =	ssub.s32 @!p0 $0x0, s1;
	[sflag:s0] =	ssyncset.done @!p0 $0x0  }
0x4b: {  	[sflag:s0] =	ssyncadd.s32 @!p0 s1  }
0x4c: {  	[bflag:$0x3] =	sbarrier.arrive $0xFFFF  }
0x4d: {  	_ =	shalt  }

</sc_bundles>
